<compile_context>
chip_gen: v7x
topology: tpu7x:2x2x1
jax: 0.10.2.dev20260603
libtpu: 0.0.44.dev20260713+nightly
codegen_flags: <defaults>
</compile_context>

<pallas_src>
import jax
import jax.numpy as jnp
from jax import lax
from jax.experimental import pallas as pl
from jax.experimental.pallas import tpu as pltpu
from jax.experimental.pallas import tpu_sc as plsc

_EMB = 32
_NI = 10
_LANES = 16


def _sc_body(user_table, item_table, uidx_hbm, iidx_hbm, out_hbm,
             uidx_v, iidx_v, urows_v, irows_v, out_v, sem):
    cp_ui = pltpu.async_copy(uidx_hbm, uidx_v, sem)
    cp_ii = pltpu.async_copy(iidx_hbm, iidx_v, sem)
    cp_ui.wait()
    cp_ii.wait()
    cp_user = pltpu.async_copy(user_table.at[uidx_v], urows_v, sem)
    cp_items = pltpu.async_copy(item_table.at[iidx_v], irows_v, sem)
    cp_user.wait()
    cp_items.wait()

    lane = lax.iota(jnp.int32, _LANES)
    u_lo = urows_v[0, pl.ds(0, _LANES)]
    u_hi = urows_v[0, pl.ds(_LANES, _LANES)]
    acc = jnp.zeros((_LANES,), jnp.float32)
    for i in range(_NI):
        prod = (irows_v[i, pl.ds(0, _LANES)] * u_lo
                + irows_v[i, pl.ds(_LANES, _LANES)] * u_hi)
        acc = jnp.where(lane == i, jnp.sum(prod), acc)

    out_v[...] = 1.0 / (1.0 + jnp.exp(-acc))
    pltpu.sync_copy(out_v.at[pl.ds(0, _NI)], out_hbm)


def kernel(user_table, item_table, user_features, item_features):
    mesh = plsc.VectorSubcoreMesh(
        core_axis_name="c", subcore_axis_name="s", num_cores=1, num_subcores=1)
    run = pl.kernel(
        _sc_body,
        out_type=jax.ShapeDtypeStruct((_NI,), jnp.float32),
        mesh=mesh,
        compiler_params=pltpu.CompilerParams(
            needs_layout_passes=False, use_tc_tiling_on_sc=False),
        scratch_types=[
            pltpu.VMEM((1,), jnp.int32),
            pltpu.VMEM((_NI,), jnp.int32),
            pltpu.VMEM((1, _EMB), jnp.float32),
            pltpu.VMEM((_NI, _EMB), jnp.float32),
            pltpu.VMEM((_LANES,), jnp.float32),
            pltpu.SemaphoreType.DMA,
        ],
    )
    out = run(user_table, item_table,
              user_features.astype(jnp.int32), item_features.astype(jnp.int32))
    return out.reshape(_NI, 1)

# --- scband reference (transcript-rebuilt; emitter-appended) ---
"""Pipeline reference for scband-sparse-arch-10986526343435 (READ-ONLY COPY).

The authoritative reference and input builder live on the scoring server;
editing this copy changes nothing except your own understanding.
"""

import jax, jax.numpy as jnp
import numpy as np

EMBEDDING_DIM = 32
ITEM_FEATURE_HASH_SIZE = 100
NUM_ITEMS = 10
USER_FEATURE_HASH_SIZE = 1000


def setup_inputs(seed: int = 0) -> dict:
    key = jax.random.key(seed)
    k1, k2, k3, k4 = jax.random.split(key, 4)
    # Note: the original module uses ITEM_FEATURE_HASH_SIZE for the 'user' table
    # and USER_FEATURE_HASH_SIZE for the 'item' table (names are swapped in source).
    user_table = jax.random.normal(k1, (ITEM_FEATURE_HASH_SIZE, EMBEDDING_DIM), dtype=jnp.float32) * 0.05
    item_table = jax.random.normal(k2, (USER_FEATURE_HASH_SIZE, EMBEDDING_DIM), dtype=jnp.float32) * 0.05
    user_features = jax.random.randint(k3, (1,), 0, ITEM_FEATURE_HASH_SIZE, dtype=jnp.int64 if jax.config.jax_enable_x64 else jnp.int32)
    item_features = jax.random.randint(k4, (NUM_ITEMS,), 0, USER_FEATURE_HASH_SIZE, dtype=jnp.int64 if jax.config.jax_enable_x64 else jnp.int32)
    return {
        "user_table": user_table,
        "item_table": item_table,
        "user_features": user_features,
        "item_features": item_features,
    }


def reference(user_table, item_table, user_features, item_features):
    # Embedding lookups (gather)
    user_embedding = jnp.take(user_table, user_features, axis=0)   # [1, 32]
    item_embeddings = jnp.take(item_table, item_features, axis=0)  # [10, 32]
    # Broadcast user embedding across all items
    user_embeddings = jnp.broadcast_to(user_embedding, (NUM_ITEMS, EMBEDDING_DIM))
    # keras Dot(axes=1): per-row dot product -> shape [NUM_ITEMS, 1]
    dots = jnp.sum(user_embeddings * item_embeddings, axis=1, keepdims=True)
    return jax.nn.sigmoid(dots)

if __name__ == "__main__":
    import jax
    _d = setup_inputs()
    print(jax.jit(kernel)(*tuple(_d.values())))

</pallas_src>

<mosaic_0001>
#map = affine_map<(d0, d1) -> (0, 0)>
#map1 = affine_map<(d0, d1) -> (0)>
module attributes {stable_mosaic.version = 14 : i64} {
  func.func @_sc_body(%arg0: i32, %arg1: i32, %arg2: memref<100x32xf32, #tpu.memory_space<hbm>>, %arg3: memref<1000x32xf32, #tpu.memory_space<hbm>>, %arg4: memref<1xi32, #tpu.memory_space<hbm>>, %arg5: memref<10xi32, #tpu.memory_space<hbm>>, %arg6: memref<10xf32, #tpu.memory_space<hbm>>, %arg7: memref<1xi32, #tpu.memory_space<vmem>>, %arg8: memref<10xi32, #tpu.memory_space<vmem>>, %arg9: memref<1x32xf32, #tpu.memory_space<vmem>>, %arg10: memref<10x32xf32, #tpu.memory_space<vmem>>, %arg11: memref<16xf32, #tpu.memory_space<vmem>>, %arg12: memref<!tpu.dma_semaphore, #tpu.memory_space<semaphore_mem>>) attributes {dimension_semantics = [#tpu.dimension_semantics<core_parallel>, #tpu.dimension_semantics<subcore_parallel>], iteration_bounds = array<i64: 1, 1>, scalar_prefetch = 0 : i64, scratch_operands = 6 : i64, tpu.core_type = #tpu.core_type<sc_vector_subcore>, window_params = [{transform_indices = #map}, {transform_indices = #map}, {transform_indices = #map1}, {transform_indices = #map1}, {transform_indices = #map1}]} {
    tpu.enqueue_dma source(%arg4 : memref<1xi32, #tpu.memory_space<hbm>>) target(%arg7 : memref<1xi32, #tpu.memory_space<vmem>>) target_semaphore(%arg12 : memref<!tpu.dma_semaphore, #tpu.memory_space<semaphore_mem>>)
    tpu.enqueue_dma source(%arg5 : memref<10xi32, #tpu.memory_space<hbm>>) target(%arg8 : memref<10xi32, #tpu.memory_space<vmem>>) target_semaphore(%arg12 : memref<!tpu.dma_semaphore, #tpu.memory_space<semaphore_mem>>)
    tpu.wait_dma2 semaphore(%arg12 : memref<!tpu.dma_semaphore, #tpu.memory_space<semaphore_mem>>) src(%arg4 : memref<1xi32, #tpu.memory_space<hbm>>) dst(%arg7 : memref<1xi32, #tpu.memory_space<vmem>>)
    tpu.wait_dma2 semaphore(%arg12 : memref<!tpu.dma_semaphore, #tpu.memory_space<semaphore_mem>>) src(%arg5 : memref<10xi32, #tpu.memory_space<hbm>>) dst(%arg8 : memref<10xi32, #tpu.memory_space<vmem>>)
    %dma_start3A = arith.constant 0 : i32
    %dma_start3A_0 = arith.constant 0 : i32
    %dma_start3A_1 = tpu.memref_slice %arg2[%dma_start3A, %dma_start3A_0] : memref<100x32xf32, #tpu.memory_space<hbm>> -> memref<100x32xf32, #tpu.memory_space<hbm>>
    tpu.enqueue_indirect_dma source(%dma_start3A_1 : memref<100x32xf32, #tpu.memory_space<hbm>>) target(%arg9 : memref<1x32xf32, #tpu.memory_space<vmem>>) offsets(%arg7 : memref<1xi32, #tpu.memory_space<vmem>>) semaphore(%arg12 : memref<!tpu.dma_semaphore, #tpu.memory_space<semaphore_mem>>)
    %dma_start3A_2 = arith.constant 0 : i32
    %dma_start3A_3 = arith.constant 0 : i32
    %dma_start3A_4 = tpu.memref_slice %arg3[%dma_start3A_2, %dma_start3A_3] : memref<1000x32xf32, #tpu.memory_space<hbm>> -> memref<1000x32xf32, #tpu.memory_space<hbm>>
    tpu.enqueue_indirect_dma source(%dma_start3A_4 : memref<1000x32xf32, #tpu.memory_space<hbm>>) target(%arg10 : memref<10x32xf32, #tpu.memory_space<vmem>>) offsets(%arg8 : memref<10xi32, #tpu.memory_space<vmem>>) semaphore(%arg12 : memref<!tpu.dma_semaphore, #tpu.memory_space<semaphore_mem>>)
    %dma_wait3A = arith.constant 0 : i32
    %dma_wait3A_5 = arith.constant 0 : i32
    %dma_wait3A_6 = tpu.memref_slice %arg2[%dma_wait3A, %dma_wait3A_5] : memref<100x32xf32, #tpu.memory_space<hbm>> -> memref<100x32xf32, #tpu.memory_space<hbm>>
    tpu.wait_indirect_dma semaphore(%arg12 : memref<!tpu.dma_semaphore, #tpu.memory_space<semaphore_mem>>) src(%dma_wait3A_6 : memref<100x32xf32, #tpu.memory_space<hbm>>) dst(%arg9 : memref<1x32xf32, #tpu.memory_space<vmem>>)
    %dma_wait3A_7 = arith.constant 0 : i32
    %dma_wait3A_8 = arith.constant 0 : i32
    %dma_wait3A_9 = tpu.memref_slice %arg3[%dma_wait3A_7, %dma_wait3A_8] : memref<1000x32xf32, #tpu.memory_space<hbm>> -> memref<1000x32xf32, #tpu.memory_space<hbm>>
    tpu.wait_indirect_dma semaphore(%arg12 : memref<!tpu.dma_semaphore, #tpu.memory_space<semaphore_mem>>) src(%dma_wait3A_9 : memref<1000x32xf32, #tpu.memory_space<hbm>>) dst(%arg10 : memref<10x32xf32, #tpu.memory_space<vmem>>)
    %iota3A = tpu.iota {dimensions = array<i32: 0>} : vector<16xi32>
    %get3A = arith.constant 0 : i32
    %get3A_10 = arith.index_cast %get3A : i32 to index
    %get3A_11 = arith.constant 0 : index
    %get3A_12 = tpu.vector_load %arg9[%get3A_10, %get3A_11] {strides = array<i32>} : memref<1x32xf32, #tpu.memory_space<vmem>>, vector<16xf32>,
    %get3A_13 = arith.constant 0 : i32
    %get3A_14 = arith.index_cast %get3A_13 : i32 to index
    %get3A_15 = arith.constant 16 : index
    %get3A_16 = tpu.vector_load %arg9[%get3A_14, %get3A_15] {strides = array<i32>} : memref<1x32xf32, #tpu.memory_space<vmem>>, vector<16xf32>,
    %broadcast_in_dim3A = arith.constant 0.000000e+00 : f32
    %broadcast_in_dim3A_17 = vector.broadcast %broadcast_in_dim3A : f32 to vector<16xf32>
    %get3A_18 = arith.constant 0 : i32
    %get3A_19 = arith.index_cast %get3A_18 : i32 to index
    %get3A_20 = arith.constant 0 : index
    %get3A_21 = tpu.vector_load %arg10[%get3A_19, %get3A_20] {strides = array<i32>} : memref<10x32xf32, #tpu.memory_space<vmem>>, vector<16xf32>,
    %mul3A = arith.mulf %get3A_21, %get3A_12 : vector<16xf32>
    %get3A_22 = arith.constant 0 : i32
    %get3A_23 = arith.index_cast %get3A_22 : i32 to index
    %get3A_24 = arith.constant 16 : index
    %get3A_25 = tpu.vector_load %arg10[%get3A_23, %get3A_24] {strides = array<i32>} : memref<10x32xf32, #tpu.memory_space<vmem>>, vector<16xf32>,
    %mul3A_26 = arith.mulf %get3A_25, %get3A_16 : vector<16xf32>
    %add3A = arith.addf %mul3A, %mul3A_26 : vector<16xf32>
    %eq3A = arith.constant 0 : i32
    %eq3A_27 = vector.broadcast %eq3A : i32 to vector<16xi32>
    %eq3A_28 = arith.cmpi eq, %iota3A, %eq3A_27 : vector<16xi32>
    %reduce_sum3A = arith.constant true
    %reduce_sum3A_29 = vector.broadcast %reduce_sum3A : i1 to vector<16xi1>
    %reduce_sum3A_30 = tpu.scan <sum>, %add3A masked %reduce_sum3A_29 : vector<16xf32>, vector<16xi1> -> vector<16xf32>
    %reduce_sum3A_31 = vector.extract %reduce_sum3A_30[15] : f32 from vector<16xf32>
    %broadcast_in_dim3A_32 = vector.broadcast %reduce_sum3A_31 : f32 to vector<16xf32>
    %select_n3A = arith.select %eq3A_28, %broadcast_in_dim3A_32, %broadcast_in_dim3A_17 : vector<16xi1>, vector<16xf32>
    %get3A_33 = arith.constant 1 : i32
    %get3A_34 = arith.index_cast %get3A_33 : i32 to index
    %get3A_35 = arith.constant 0 : index
    %get3A_36 = tpu.vector_load %arg10[%get3A_34, %get3A_35] {strides = array<i32>} : memref<10x32xf32, #tpu.memory_space<vmem>>, vector<16xf32>,
    %mul3A_37 = arith.mulf %get3A_36, %get3A_12 : vector<16xf32>
    %get3A_38 = arith.constant 1 : i32
    %get3A_39 = arith.index_cast %get3A_38 : i32 to index
    %get3A_40 = arith.constant 16 : index
    %get3A_41 = tpu.vector_load %arg10[%get3A_39, %get3A_40] {strides = array<i32>} : memref<10x32xf32, #tpu.memory_space<vmem>>, vector<16xf32>,
    %mul3A_42 = arith.mulf %get3A_41, %get3A_16 : vector<16xf32>
    %add3A_43 = arith.addf %mul3A_37, %mul3A_42 : vector<16xf32>
    %eq3A_44 = arith.constant 1 : i32
    %eq3A_45 = vector.broadcast %eq3A_44 : i32 to vector<16xi32>
    %eq3A_46 = arith.cmpi eq, %iota3A, %eq3A_45 : vector<16xi32>
    %reduce_sum3A_47 = arith.constant true
    %reduce_sum3A_48 = vector.broadcast %reduce_sum3A_47 : i1 to vector<16xi1>
    %reduce_sum3A_49 = tpu.scan <sum>, %add3A_43 masked %reduce_sum3A_48 : vector<16xf32>, vector<16xi1> -> vector<16xf32>
    %reduce_sum3A_50 = vector.extract %reduce_sum3A_49[15] : f32 from vector<16xf32>
    %broadcast_in_dim3A_51 = vector.broadcast %reduce_sum3A_50 : f32 to vector<16xf32>
    %select_n3A_52 = arith.select %eq3A_46, %broadcast_in_dim3A_51, %select_n3A : vector<16xi1>, vector<16xf32>
    %get3A_53 = arith.constant 2 : i32
    %get3A_54 = arith.index_cast %get3A_53 : i32 to index
    %get3A_55 = arith.constant 0 : index
    %get3A_56 = tpu.vector_load %arg10[%get3A_54, %get3A_55] {strides = array<i32>} : memref<10x32xf32, #tpu.memory_space<vmem>>, vector<16xf32>,
    %mul3A_57 = arith.mulf %get3A_56, %get3A_12 : vector<16xf32>
    %get3A_58 = arith.constant 2 : i32
    %get3A_59 = arith.index_cast %get3A_58 : i32 to index
    %get3A_60 = arith.constant 16 : index
    %get3A_61 = tpu.vector_load %arg10[%get3A_59, %get3A_60] {strides = array<i32>} : memref<10x32xf32, #tpu.memory_space<vmem>>, vector<16xf32>,
    %mul3A_62 = arith.mulf %get3A_61, %get3A_16 : vector<16xf32>
    %add3A_63 = arith.addf %mul3A_57, %mul3A_62 : vector<16xf32>
    %eq3A_64 = arith.constant 2 : i32
    %eq3A_65 = vector.broadcast %eq3A_64 : i32 to vector<16xi32>
    %eq3A_66 = arith.cmpi eq, %iota3A, %eq3A_65 : vector<16xi32>
    %reduce_sum3A_67 = arith.constant true
    %reduce_sum3A_68 = vector.broadcast %reduce_sum3A_67 : i1 to vector<16xi1>
    %reduce_sum3A_69 = tpu.scan <sum>, %add3A_63 masked %reduce_sum3A_68 : vector<16xf32>, vector<16xi1> -> vector<16xf32>
    %reduce_sum3A_70 = vector.extract %reduce_sum3A_69[15] : f32 from vector<16xf32>
    %broadcast_in_dim3A_71 = vector.broadcast %reduce_sum3A_70 : f32 to vector<16xf32>
    %select_n3A_72 = arith.select %eq3A_66, %broadcast_in_dim3A_71, %select_n3A_52 : vector<16xi1>, vector<16xf32>
    %get3A_73 = arith.constant 3 : i32
    %get3A_74 = arith.index_cast %get3A_73 : i32 to index
    %get3A_75 = arith.constant 0 : index
    %get3A_76 = tpu.vector_load %arg10[%get3A_74, %get3A_75] {strides = array<i32>} : memref<10x32xf32, #tpu.memory_space<vmem>>, vector<16xf32>,
    %mul3A_77 = arith.mulf %get3A_76, %get3A_12 : vector<16xf32>
    %get3A_78 = arith.constant 3 : i32
    %get3A_79 = arith.index_cast %get3A_78 : i32 to index
    %get3A_80 = arith.constant 16 : index
    %get3A_81 = tpu.vector_load %arg10[%get3A_79, %get3A_80] {strides = array<i32>} : memref<10x32xf32, #tpu.memory_space<vmem>>, vector<16xf32>,
    %mul3A_82 = arith.mulf %get3A_81, %get3A_16 : vector<16xf32>
    %add3A_83 = arith.addf %mul3A_77, %mul3A_82 : vector<16xf32>
    %eq3A_84 = arith.constant 3 : i32
    %eq3A_85 = vector.broadcast %eq3A_84 : i32 to vector<16xi32>
    %eq3A_86 = arith.cmpi eq, %iota3A, %eq3A_85 : vector<16xi32>
    %reduce_sum3A_87 = arith.constant true
    %reduce_sum3A_88 = vector.broadcast %reduce_sum3A_87 : i1 to vector<16xi1>
    %reduce_sum3A_89 = tpu.scan <sum>, %add3A_83 masked %reduce_sum3A_88 : vector<16xf32>, vector<16xi1> -> vector<16xf32>
    %reduce_sum3A_90 = vector.extract %reduce_sum3A_89[15] : f32 from vector<16xf32>
    %broadcast_in_dim3A_91 = vector.broadcast %reduce_sum3A_90 : f32 to vector<16xf32>
    %select_n3A_92 = arith.select %eq3A_86, %broadcast_in_dim3A_91, %select_n3A_72 : vector<16xi1>, vector<16xf32>
    %get3A_93 = arith.constant 4 : i32
    %get3A_94 = arith.index_cast %get3A_93 : i32 to index
    %get3A_95 = arith.constant 0 : index
    %get3A_96 = tpu.vector_load %arg10[%get3A_94, %get3A_95] {strides = array<i32>} : memref<10x32xf32, #tpu.memory_space<vmem>>, vector<16xf32>,
    %mul3A_97 = arith.mulf %get3A_96, %get3A_12 : vector<16xf32>
    %get3A_98 = arith.constant 4 : i32
    %get3A_99 = arith.index_cast %get3A_98 : i32 to index
    %get3A_100 = arith.constant 16 : index
    %get3A_101 = tpu.vector_load %arg10[%get3A_99, %get3A_100] {strides = array<i32>} : memref<10x32xf32, #tpu.memory_space<vmem>>, vector<16xf32>,
    %mul3A_102 = arith.mulf %get3A_101, %get3A_16 : vector<16xf32>
    %add3A_103 = arith.addf %mul3A_97, %mul3A_102 : vector<16xf32>
    %eq3A_104 = arith.constant 4 : i32
    %eq3A_105 = vector.broadcast %eq3A_104 : i32 to vector<16xi32>
    %eq3A_106 = arith.cmpi eq, %iota3A, %eq3A_105 : vector<16xi32>
    %reduce_sum3A_107 = arith.constant true
    %reduce_sum3A_108 = vector.broadcast %reduce_sum3A_107 : i1 to vector<16xi1>
    %reduce_sum3A_109 = tpu.scan <sum>, %add3A_103 masked %reduce_sum3A_108 : vector<16xf32>, vector<16xi1> -> vector<16xf32>
    %reduce_sum3A_110 = vector.extract %reduce_sum3A_109[15] : f32 from vector<16xf32>
    %broadcast_in_dim3A_111 = vector.broadcast %reduce_sum3A_110 : f32 to vector<16xf32>
    %select_n3A_112 = arith.select %eq3A_106, %broadcast_in_dim3A_111, %select_n3A_92 : vector<16xi1>, vector<16xf32>
    %get3A_113 = arith.constant 5 : i32
    %get3A_114 = arith.index_cast %get3A_113 : i32 to index
    %get3A_115 = arith.constant 0 : index
    %get3A_116 = tpu.vector_load %arg10[%get3A_114, %get3A_115] {strides = array<i32>} : memref<10x32xf32, #tpu.memory_space<vmem>>, vector<16xf32>,
    %mul3A_117 = arith.mulf %get3A_116, %get3A_12 : vector<16xf32>
    %get3A_118 = arith.constant 5 : i32
    %get3A_119 = arith.index_cast %get3A_118 : i32 to index
    %get3A_120 = arith.constant 16 : index
    %get3A_121 = tpu.vector_load %arg10[%get3A_119, %get3A_120] {strides = array<i32>} : memref<10x32xf32, #tpu.memory_space<vmem>>, vector<16xf32>,
    %mul3A_122 = arith.mulf %get3A_121, %get3A_16 : vector<16xf32>
    %add3A_123 = arith.addf %mul3A_117, %mul3A_122 : vector<16xf32>
    %eq3A_124 = arith.constant 5 : i32
    %eq3A_125 = vector.broadcast %eq3A_124 : i32 to vector<16xi32>
    %eq3A_126 = arith.cmpi eq, %iota3A, %eq3A_125 : vector<16xi32>
    %reduce_sum3A_127 = arith.constant true
    %reduce_sum3A_128 = vector.broadcast %reduce_sum3A_127 : i1 to vector<16xi1>
    %reduce_sum3A_129 = tpu.scan <sum>, %add3A_123 masked %reduce_sum3A_128 : vector<16xf32>, vector<16xi1> -> vector<16xf32>
    %reduce_sum3A_130 = vector.extract %reduce_sum3A_129[15] : f32 from vector<16xf32>
    %broadcast_in_dim3A_131 = vector.broadcast %reduce_sum3A_130 : f32 to vector<16xf32>
    %select_n3A_132 = arith.select %eq3A_126, %broadcast_in_dim3A_131, %select_n3A_112 : vector<16xi1>, vector<16xf32>
    %get3A_133 = arith.constant 6 : i32
    %get3A_134 = arith.index_cast %get3A_133 : i32 to index
    %get3A_135 = arith.constant 0 : index
    %get3A_136 = tpu.vector_load %arg10[%get3A_134, %get3A_135] {strides = array<i32>} : memref<10x32xf32, #tpu.memory_space<vmem>>, vector<16xf32>,
    %mul3A_137 = arith.mulf %get3A_136, %get3A_12 : vector<16xf32>
    %get3A_138 = arith.constant 6 : i32
    %get3A_139 = arith.index_cast %get3A_138 : i32 to index
    %get3A_140 = arith.constant 16 : index
    %get3A_141 = tpu.vector_load %arg10[%get3A_139, %get3A_140] {strides = array<i32>} : memref<10x32xf32, #tpu.memory_space<vmem>>, vector<16xf32>,
    %mul3A_142 = arith.mulf %get3A_141, %get3A_16 : vector<16xf32>
    %add3A_143 = arith.addf %mul3A_137, %mul3A_142 : vector<16xf32>
    %eq3A_144 = arith.constant 6 : i32
    %eq3A_145 = vector.broadcast %eq3A_144 : i32 to vector<16xi32>
    %eq3A_146 = arith.cmpi eq, %iota3A, %eq3A_145 : vector<16xi32>
    %reduce_sum3A_147 = arith.constant true
    %reduce_sum3A_148 = vector.broadcast %reduce_sum3A_147 : i1 to vector<16xi1>
    %reduce_sum3A_149 = tpu.scan <sum>, %add3A_143 masked %reduce_sum3A_148 : vector<16xf32>, vector<16xi1> -> vector<16xf32>
    %reduce_sum3A_150 = vector.extract %reduce_sum3A_149[15] : f32 from vector<16xf32>
    %broadcast_in_dim3A_151 = vector.broadcast %reduce_sum3A_150 : f32 to vector<16xf32>
    %select_n3A_152 = arith.select %eq3A_146, %broadcast_in_dim3A_151, %select_n3A_132 : vector<16xi1>, vector<16xf32>
    %get3A_153 = arith.constant 7 : i32
    %get3A_154 = arith.index_cast %get3A_153 : i32 to index
    %get3A_155 = arith.constant 0 : index
    %get3A_156 = tpu.vector_load %arg10[%get3A_154, %get3A_155] {strides = array<i32>} : memref<10x32xf32, #tpu.memory_space<vmem>>, vector<16xf32>,
    %mul3A_157 = arith.mulf %get3A_156, %get3A_12 : vector<16xf32>
    %get3A_158 = arith.constant 7 : i32
    %get3A_159 = arith.index_cast %get3A_158 : i32 to index
    %get3A_160 = arith.constant 16 : index
    %get3A_161 = tpu.vector_load %arg10[%get3A_159, %get3A_160] {strides = array<i32>} : memref<10x32xf32, #tpu.memory_space<vmem>>, vector<16xf32>,
    %mul3A_162 = arith.mulf %get3A_161, %get3A_16 : vector<16xf32>
    %add3A_163 = arith.addf %mul3A_157, %mul3A_162 : vector<16xf32>
    %eq3A_164 = arith.constant 7 : i32
    %eq3A_165 = vector.broadcast %eq3A_164 : i32 to vector<16xi32>
    %eq3A_166 = arith.cmpi eq, %iota3A, %eq3A_165 : vector<16xi32>
    %reduce_sum3A_167 = arith.constant true
    %reduce_sum3A_168 = vector.broadcast %reduce_sum3A_167 : i1 to vector<16xi1>
    %reduce_sum3A_169 = tpu.scan <sum>, %add3A_163 masked %reduce_sum3A_168 : vector<16xf32>, vector<16xi1> -> vector<16xf32>
    %reduce_sum3A_170 = vector.extract %reduce_sum3A_169[15] : f32 from vector<16xf32>
    %broadcast_in_dim3A_171 = vector.broadcast %reduce_sum3A_170 : f32 to vector<16xf32>
    %select_n3A_172 = arith.select %eq3A_166, %broadcast_in_dim3A_171, %select_n3A_152 : vector<16xi1>, vector<16xf32>
    %get3A_173 = arith.constant 8 : i32
    %get3A_174 = arith.index_cast %get3A_173 : i32 to index
    %get3A_175 = arith.constant 0 : index
    %get3A_176 = tpu.vector_load %arg10[%get3A_174, %get3A_175] {strides = array<i32>} : memref<10x32xf32, #tpu.memory_space<vmem>>, vector<16xf32>,
    %mul3A_177 = arith.mulf %get3A_176, %get3A_12 : vector<16xf32>
    %get3A_178 = arith.constant 8 : i32
    %get3A_179 = arith.index_cast %get3A_178 : i32 to index
    %get3A_180 = arith.constant 16 : index
    %get3A_181 = tpu.vector_load %arg10[%get3A_179, %get3A_180] {strides = array<i32>} : memref<10x32xf32, #tpu.memory_space<vmem>>, vector<16xf32>,
    %mul3A_182 = arith.mulf %get3A_181, %get3A_16 : vector<16xf32>
    %add3A_183 = arith.addf %mul3A_177, %mul3A_182 : vector<16xf32>
    %eq3A_184 = arith.constant 8 : i32
    %eq3A_185 = vector.broadcast %eq3A_184 : i32 to vector<16xi32>
    %eq3A_186 = arith.cmpi eq, %iota3A, %eq3A_185 : vector<16xi32>
    %reduce_sum3A_187 = arith.constant true
    %reduce_sum3A_188 = vector.broadcast %reduce_sum3A_187 : i1 to vector<16xi1>
    %reduce_sum3A_189 = tpu.scan <sum>, %add3A_183 masked %reduce_sum3A_188 : vector<16xf32>, vector<16xi1> -> vector<16xf32>
    %reduce_sum3A_190 = vector.extract %reduce_sum3A_189[15] : f32 from vector<16xf32>
    %broadcast_in_dim3A_191 = vector.broadcast %reduce_sum3A_190 : f32 to vector<16xf32>
    %select_n3A_192 = arith.select %eq3A_186, %broadcast_in_dim3A_191, %select_n3A_172 : vector<16xi1>, vector<16xf32>
    %get3A_193 = arith.constant 9 : i32
    %get3A_194 = arith.index_cast %get3A_193 : i32 to index
    %get3A_195 = arith.constant 0 : index
    %get3A_196 = tpu.vector_load %arg10[%get3A_194, %get3A_195] {strides = array<i32>} : memref<10x32xf32, #tpu.memory_space<vmem>>, vector<16xf32>,
    %mul3A_197 = arith.mulf %get3A_196, %get3A_12 : vector<16xf32>
    %get3A_198 = arith.constant 9 : i32
    %get3A_199 = arith.index_cast %get3A_198 : i32 to index
    %get3A_200 = arith.constant 16 : index
    %get3A_201 = tpu.vector_load %arg10[%get3A_199, %get3A_200] {strides = array<i32>} : memref<10x32xf32, #tpu.memory_space<vmem>>, vector<16xf32>,
    %mul3A_202 = arith.mulf %get3A_201, %get3A_16 : vector<16xf32>
    %add3A_203 = arith.addf %mul3A_197, %mul3A_202 : vector<16xf32>
    %eq3A_204 = arith.constant 9 : i32
    %eq3A_205 = vector.broadcast %eq3A_204 : i32 to vector<16xi32>
    %eq3A_206 = arith.cmpi eq, %iota3A, %eq3A_205 : vector<16xi32>
    %reduce_sum3A_207 = arith.constant true
    %reduce_sum3A_208 = vector.broadcast %reduce_sum3A_207 : i1 to vector<16xi1>
    %reduce_sum3A_209 = tpu.scan <sum>, %add3A_203 masked %reduce_sum3A_208 : vector<16xf32>, vector<16xi1> -> vector<16xf32>
    %reduce_sum3A_210 = vector.extract %reduce_sum3A_209[15] : f32 from vector<16xf32>
    %broadcast_in_dim3A_211 = vector.broadcast %reduce_sum3A_210 : f32 to vector<16xf32>
    %select_n3A_212 = arith.select %eq3A_206, %broadcast_in_dim3A_211, %select_n3A_192 : vector<16xi1>, vector<16xf32>
    %neg3A = arith.constant 0.000000e+00 : f32
    %neg3A_213 = vector.broadcast %neg3A : f32 to vector<16xf32>
    %neg3A_214 = arith.subf %neg3A_213, %select_n3A_212 : vector<16xf32>
    %exp3A = math.exp %neg3A_214 : vector<16xf32>
    %add3A_215 = arith.constant 1.000000e+00 : f32
    %add3A_216 = vector.broadcast %add3A_215 : f32 to vector<16xf32>
    %add3A_217 = arith.addf %add3A_216, %exp3A : vector<16xf32>
    %div3A = arith.constant 1.000000e+00 : f32
    %div3A_218 = vector.broadcast %div3A : f32 to vector<16xf32>
    %div3A_219 = arith.divf %div3A_218, %add3A_217 : vector<16xf32>
    %swap3A = arith.constant 0 : index
    %swap3A_220 = tpu.vector_load %arg11[%swap3A] {strides = array<i32>} : memref<16xf32, #tpu.memory_space<vmem>>, vector<16xf32>,
    tpu.vector_store %arg11[%swap3A], %div3A_219 {strides = array<i32>} : memref<16xf32, #tpu.memory_space<vmem>>, vector<16xf32>,
    "tpu.region"() ({
      %run_scoped3A = tpu.sem_alloc : memref<!tpu.dma_semaphore, #tpu.memory_space<semaphore_mem>>
      %dma_start3A_221 = arith.constant 0 : i32
      %dma_start3A_222 = tpu.memref_slice %arg11[%dma_start3A_221] : memref<16xf32, #tpu.memory_space<vmem>> -> memref<10xf32, #tpu.memory_space<vmem>>
      %dma_start3A_223 = arith.constant 0 : i32
      %dma_start3A_224 = tpu.memref_slice %arg11[%dma_start3A_223] : memref<16xf32, #tpu.memory_space<vmem>> -> memref<10xf32, #tpu.memory_space<vmem>>
      tpu.enqueue_dma source(%dma_start3A_224 : memref<10xf32, #tpu.memory_space<vmem>>) target(%arg6 : memref<10xf32, #tpu.memory_space<hbm>>) target_semaphore(%run_scoped3A : memref<!tpu.dma_semaphore, #tpu.memory_space<semaphore_mem>>)
      %dma_wait3A_225 = arith.constant 0 : i32
      %dma_wait3A_226 = tpu.memref_slice %arg11[%dma_wait3A_225] : memref<16xf32, #tpu.memory_space<vmem>> -> memref<10xf32, #tpu.memory_space<vmem>>
      %dma_wait3A_227 = arith.constant 0 : i32
      %dma_wait3A_228 = tpu.memref_slice %arg11[%dma_wait3A_227] : memref<16xf32, #tpu.memory_space<vmem>> -> memref<10xf32, #tpu.memory_space<vmem>>
      tpu.wait_dma2 semaphore(%run_scoped3A : memref<!tpu.dma_semaphore, #tpu.memory_space<semaphore_mem>>) src(%dma_wait3A_228 : memref<10xf32, #tpu.memory_space<vmem>>) dst(%arg6 : memref<10xf32, #tpu.memory_space<hbm>>)
      tpu.yield
    }) : () -> ()
    return
  }
}

</mosaic_0001>

<sc_bundles>
// kernel: kernel.3.cloned.1.call-start
scs
__scs_entry_jumppad:
0x0: {  	(pc) =	sbr.rel $0x88, $3  }
0x1: {  	(tag) =	ssettag $0x0;
	lr =	simm.s32 $0x1  }
0x2: {  	[smem:$0x3F9D] =	sst lr;
	_ =	strace $0xD0000000  }
0x3: {  	_ = 	snop  }
0x4: {  	_ = 	snop  }
0x5: {  	_ = 	snop  }
0x6: {  	_ = 	snop  }
0x7: {  	_ = 	snop  }
__scs_overlays_trampoline_lowered:
0x8: {  	[smem:$0x3FAC] =	sst s0  }
0x9: {  	[smem:$0x3FAD] =	sst s1  }
0xa: {  	[smem:$0x3FAE] =	sst s2  }
0xb: {  	[smem:$0x3FAF] =	sst s3  }
0xc: {  	[smem:$0x3FB0] =	sst s4  }
0xd: {  	[smem:$0x3FB1] =	sst s5  }
0xe: {  	[smem:$0x3FB2] =	sst s6  }
0xf: {  	[smem:$0x3FB3] =	sst s7  }
0x10: {  	[smem:$0x3FB4] =	sst s8  }
0x11: {  	[smem:$0x3FB5] =	sst s9;
	s0 =	simm.s32 @!p0 $0x0  }
0x12: {  	s1 =	sld [smem:$0x3F9B];
	s0 =	simm.s32 @p0 $0x1  }
0x13: {  	[smem:$0x3FB6] =	sst s0;
	s0 =	simm.s32 @!p1 $0x0  }
0x14: {  	s2 =	sld [smem:$0x3F9A];
	s0 =	simm.s32 @p1 $0x1  }
0x15: {  	[smem:$0x3FB7] =	sst s0;
	s0 =	simm.s32 @!p2 $0x0  }
0x16: {  	s3 =	sld [smem:$0x3FDB];
	s0 =	simm.s32 @p2 $0x1  }
0x17: {  	s4 =	simm.s32 $0x1BF5;
	[smem:$0x3FB9] =	sst s0  }
0x18: {  	s0 =	sld [smem:$0x3F9C];
	_ =	swait.ge [sflag:s4], $0x0  }
0x19: {  	s7 =	sld [smem:$0x3F9D]  }
0x1a: {  	s8 =	sadd.s32 $0xFFFFE003, lr  }
0x1b: {  	s9 =	sadd.s32 $0xFFFFFEF7, lr;
	s5 =	simm.s32 $0xFFFFFFFF;
	p2 =	slt.u32 s8, $0xFFFFF086  }
0x1c: {  	p1 =	slt.u32 s9, $0xF7A;
	s5 =	simm.s32 @!p2 $0x0  }
0x1d: {  	s5 =	simm.s32 @p1 $0x1;
	p0 =	seq.s32 s7, s2  }
0x1e: {  	s7 =	smul.u32 @!p0 $0xF7A, s2;
	p2 =	seq.s32 @!p0 s5, $0x0  }
0x1f: {  	s9 =	smul.u32 $0xF7A, s1;
	s8 =	simm.s32 @!p0 $0x1BF5;
	p2 =	por !p2, p0  }
0x20: {  	[sflag:s8] =	ssyncset.s32 @!p0 $0xFFFFF086;
	s6 =	sadd.s32 @!p0 s3, s7;
	s7 =	simm.s32 @!p0 $0x108  }
0x21: {  	s3 =	sadd.s32 s3, s9;
	s6 =	sadd.s32 @!p0 $0x88, s6;
	s7 =	simm.s32 @p2 $0x1082  }
0x22: {  	[simem:s7], [sflag:s8] =	dma.local @!p0 [hbm:s6], $0xF7A  }
0x23: {  	s9 =	sor.u32 $0xD0000000, s2;
	s6 =	simm.s32 $0x108;
	_ =	swait.ge @!p0 [sflag:s8], $0x0  }
0x24: {  	s3 =	sadd.s32 $0x88, s3;
	s6 =	simm.s32 @!p1 $0x1082;
	[sflag:s4] =	ssyncset.s32 $0xFFFFF086  }
0x25: {  	[simem:s6], [sflag:s4] =	dma.local [hbm:s3], $0xF7A  }
0x26: {  	[smem:$0x3F9D] =	sst s1;
	(tag) =	ssettag s2;
	_ =	strace s9  }
0x27: {  	s1 =	sld [smem:$0x3FAD]  }
0x28: {  	s2 =	sld [smem:$0x3FAE]  }
0x29: {  	s4 =	sld [smem:$0x3FB0]  }
0x2a: {  	p0 =	seq.s32 s5, $0x0;
	s5 =	sld [smem:$0x3FB1]  }
0x2b: {  	s6 =	sld [smem:$0x3FB2]  }
0x2c: {  	s7 =	sld [smem:$0x3FB3]  }
0x2d: {  	s3 =	simm.s32 $0x108;
	s8 =	sld [smem:$0x3FB4]  }
0x2e: {  	s3 =	simm.s32 @!p0 $0x1082;
	s9 =	sld [smem:$0x3FB5]  }
0x2f: {  	lr =	sadd.s32 s0, s3;
	s0 =	sld [smem:$0x3FAC]  }
0x30: {  	s3 =	sld [smem:$0x3FAF]  }
0x31: {  	[smem:$0x3FB8] =	sst s10  }
0x32: {  	s10 =	sld [smem:$0x3FB6];
	_ =	sdelay $0x3  }
0x33: {  	p0 =	seq.s32 s10, $0x1;
	s10 =	sld [smem:$0x3FB8];
	_ =	sdelay $0x3  }
0x34: {  	[smem:$0x3FB8] =	sst s10  }
0x35: {  	s10 =	sld [smem:$0x3FB7];
	_ =	sdelay $0x3  }
0x36: {  	p1 =	seq.s32 s10, $0x1;
	s10 =	sld [smem:$0x3FB8];
	_ =	sdelay $0x3  }
0x37: {  	[smem:$0x3FB8] =	sst s10  }
0x38: {  	s10 =	sld [smem:$0x3FB9]  }
0x39: {  	_ = 	snop;
	(pc) =	sbr.ind lr, $3  }
0x3a: {  	_ = 	snop  }
0x3b: {  	_ = 	snop  }
0x3c: {  	p2 =	seq.s32 s10, $0x1;
	s10 =	sld [smem:$0x3FB8]  }
0x3d: {  	_ =	shalt  }
0x3e: {  	_ =	shalt  }
0x3f: {  	_ =	shalt  }
0x40: {  	_ =	shalt  }
0x41: {  	_ =	shalt  }
0x42: {  	_ =	shalt  }
0x43: {  	_ =	shalt  }
0x44: {  	_ =	shalt  }
0x45: {  	_ =	shalt  }
0x46: {  	_ =	shalt  }
0x47: {  	_ =	shalt  }
0x48: {  	_ =	shalt  }
0x49: {  	_ =	shalt  }
0x4a: {  	_ =	shalt  }
0x4b: {  	_ =	shalt  }
0x4c: {  	_ =	shalt  }
0x4d: {  	_ =	shalt  }
0x4e: {  	_ =	shalt  }
0x4f: {  	_ =	shalt  }
0x50: {  	_ =	shalt  }
0x51: {  	_ =	shalt  }
0x52: {  	_ =	shalt  }
0x53: {  	_ =	shalt  }
0x54: {  	_ =	shalt  }
0x55: {  	_ =	shalt  }
0x56: {  	_ =	shalt  }
0x57: {  	_ =	shalt  }
0x58: {  	_ =	shalt  }
0x59: {  	_ =	shalt  }
0x5a: {  	_ =	shalt  }
0x5b: {  	_ =	shalt  }
0x5c: {  	_ =	shalt  }
0x5d: {  	_ =	shalt  }
0x5e: {  	_ =	shalt  }
0x5f: {  	_ =	shalt  }
0x60: {  	_ =	shalt  }
0x61: {  	_ =	shalt  }
0x62: {  	_ =	shalt  }
0x63: {  	_ =	shalt  }
0x64: {  	_ =	shalt  }
0x65: {  	_ =	shalt  }
0x66: {  	_ =	shalt  }
0x67: {  	_ =	shalt  }
0x68: {  	_ =	shalt  }
0x69: {  	_ =	shalt  }
0x6a: {  	_ =	shalt  }
0x6b: {  	_ =	shalt  }
0x6c: {  	_ =	shalt  }
0x6d: {  	_ =	shalt  }
0x6e: {  	_ =	shalt  }
0x6f: {  	_ =	shalt  }
0x70: {  	_ =	shalt  }
0x71: {  	_ =	shalt  }
0x72: {  	_ =	shalt  }
0x73: {  	_ =	shalt  }
0x74: {  	_ =	shalt  }
0x75: {  	_ =	shalt  }
0x76: {  	_ =	shalt  }
0x77: {  	_ =	shalt  }
0x78: {  	_ =	shalt  }
0x79: {  	_ =	shalt  }
0x7a: {  	_ =	shalt  }
0x7b: {  	_ =	shalt  }
0x7c: {  	_ =	shalt  }
0x7d: {  	_ =	shalt  }
0x7e: {  	_ =	shalt  }
0x7f: {  	_ =	shalt  }
0x80: {  	_ =	shalt  }
0x81: {  	_ =	shalt  }
0x82: {  	_ =	shalt  }
0x83: {  	_ =	shalt  }
0x84: {  	_ =	shalt  }
0x85: {  	_ =	shalt  }
0x86: {  	_ =	shalt  }
0x87: {  	_ =	shalt  }
.Lfunc_end0:
.L_simem_size_0:
called_computation_lowered:
.L_overlay_start_0:
0x88: {  	s0 =	sld [smem:$0x3FD9]  }
0x89: {  	s1 =	sld [smem:$0x3FFE];
	_ =	sdelay $0x3  }
0x8a: {  	s0 =	sadd.s32 s1, s0  }
0x8b: {  	[smem:$0x3FC4] =	sst s0  }
0x8c: {  	_ = 	snop  }
0x8d: {  	s0 =	sld [smem:$0x3FC7]  }
0x8e: {  	s16 =	sld [smem:$0x3FC6]  }
0x8f: {  	s2 =	sld [smem:$0x3FD0];
	(tm) =	ssettm $0x1  }
0x90: {  	s3 =	sld [smem:$0x3FFB];
	_ =	sdelay $0x3  }
0x91: {  	_ =	strace s3  }
0x92: {  	s3 =	sld [smem:$0x3FFC];
	_ =	sdelay $0x3  }
0x93: {  	_ =	strace s3  }
0x94: {  	s3 =	sld [smem:$0x3FFD];
	_ =	sdelay $0x3  }
0x95: {  	_ =	strace s3  }
0x96: {  	_ =	strace $0x8FFFFFFF  }
0x97: {  	s17 =	sld [smem:$0x3FDB];
	_ =	sdelay $0x1  }
0x98: {  	s4 =	simm.s32 $_scs_section_size  }
0x99: {  	s5 =	simm.s32 $_size__tile_overlayer_lowered;
	s6 =	simm.s32 $_tile_overlayer_lowered  }
0x9a: {  	s20 =	simm.s32 $0x1BFF;
	s19 =	sshll.u32 s6, $0x1;
	s3 =	sadd.s32 s4, s17  }
0x9b: {  	s7 =	simm.s32 $0x0;
	s18 =	sshll.u32 s5, $0x1;
	s5 =	sadd.s32 s19, s3  }
0x9c: {  	[timem:s7], [sflag:s20] =	dma.local [hbm:s5], s18  }
0x9d: {  	_ =	swait.ge [sflag:s20], s18  }
0x9e: {  	s4 =	ssub.s32 $0x0, s18;
	[sflag:s20] =	ssyncset.done $0x0  }
0x9f: {  	[sflag:s20] =	ssyncadd.s32 s4;
	_ =	sdelay $0x1  }
0xa0: {  	s21 =	simm.s32 $0x1B8B  }
0xa1: {  	_ =	swait.ge [sflag:s21], $0x1  }
0xa2: {  	[sflag:s21] =	ssyncset.done $0x0  }
0xa3: {  	s23 =	simm.s32 $0x1B8E;
	s22 =	sld [smem:$0x3FFE];
	[sflag:s21] =	ssyncadd.s32 $0xFFFFFFFF  }
0xa4: {  	s24 =	simm.s32 $execute0_lowered;
	[smem:$0x3FD2] =	sst s23  }
0xa5: {  	s5 =	sshll.u32 s24, $0x1;
	_ =	strace $0x80000046;
	[dreg:$0x1] =	wrdreg $0xFFFFFFFF  }
0xa6: {  	s25 =	simm.s32 $_size_execute0_lowered;
	s3 =	sadd.s32 s3, s5;
	[dreg:$0x0] =	wrdreg $0x0  }
0xa7: {  	s5 =	sshll.u32 s25, $0x1;
	[dreg:$0x2] =	wrdreg s3  }
0xa8: {  	[dreg:$0x3] =	wrdreg s5  }
0xa9: {  	[dreg:$0x4] =	wrdreg $0xC0  }
0xaa: {  	_ =	task [dreg:s7], $0x5FFFF  }
0xab: {  	[dreg:$0x1] =	wrdreg $0xFFFFFFFF  }
0xac: {  	[dreg:$0x0] =	wrdreg $0x60  }
0xad: {  	[dreg:$0x2] =	wrdreg s22  }
0xae: {  	[dreg:$0x3] =	wrdreg s0  }
0xaf: {  	[dreg:$0x4] =	wrdreg s16  }
0xb0: {  	[dreg:$0x5] =	wrdreg s2  }
0xb1: {  	[dreg:$0x6] =	wrdreg $0x9  }
0xb2: {  	_ =	task.clear_ibuf [dreg:s7], $0x7FFFF;
	_ =	strace $0x90000046  }
0xb3: {  	s26 =	simm.s32 $0x9;
	_ =	strace $0x80000048  }
0xb4: {  	_ =	swait.ge [sflag:s26], $0x1  }
0xb5: {  	[sflag:s26] =	ssyncadd.s32 $0xFFFFFFFF  }
0xb6: {  	_ =	strace $0x90000048  }
0xb7: {  	_ =	sfence  }
0xb8: {  	s28 =	sld [smem:$0x0];
	_ =	sdelay $0x1  }
0xb9: {  	s29 =	srdreg.scid  }
0xba: {  	s30 =	sshll.u32 s29, $0xD;
	s31 =	sshrl.u32 s29, $0x2  }
0xbb: {  	s1 =	sand.u32 $0x1, s29;
	s2 =	sand.u32 $0x4000, s30;
	s0 =	sadd.s32 s31, s28  }
0xbc: {  	s1 =	sor.u32 s2, s1;
	s0 =	sshll.u32 s0, $0x11  }
0xbd: {  	s0 =	sor.u32 s0, s1  }
0xbe: {  	s0 =	sadd.s32 $0x8F2B, s0  }
0xbf: {  	[sflag:s0] =	ssyncadd.remote.s32 $0x1  }
0xc0: {  	_ =	sfence.sel $0xFFFF  }
0xc1: {  	[dreg:$0x0] =	wrdreg $0xFFFFFFFF;
	(pc) =	sbr.abs _section_cstart, $3  }
0xc2: {  	[dreg:$0x1] =	wrdreg $0xFFFFFFFF  }
0xc3: {  	_ =	task.clear_ibuf [dreg:s7], $0x2FFFF;
	_ =	strace $0x9FFFFFFF  }
0xc4: {  	(tm) =	ssettm $0x7FFFFFFF  }
0xc5: {  	_ =	shalt  }
tec
execute0_lowered:
.L_overlay_start_1:
0x0: {  	(tag) =	ssettag $0x1  }
0x1: {  	s2 =	stileid.u32  }
0x2: {  	p0 =	sne.s32 s2, $0x0  }
.Ltmp0:
0x3: {  	s3 =	rddreg [dreg:$0x0];
	(pc) =	sbr.rel @p0 .LBB2_2-.Ltmp0, $4  }
0x4: {  	s5 =	rddreg [dreg:$0x1]  }
0x5: {  	s4 =	rddreg [dreg:$0x2]  }
0x6: {  	s1 =	rddreg [dreg:$0x3]  }
0x7: {  	s0 =	rddreg [dreg:$0x4];
	_ =	strace $0x80000047  }
0x8: {  	s2 =	simm.s32 $0x0  }
0x9: {  	[tilespmem:s2], [sflag:$0x1] =	stream.linear.gather [hbm4b:s5+s2], $0x8, $0x38;
	[tilespmem:$0x188] =	vst v63  }
0xa: {  	s24 =	simm.s32 $0x8;
	s25 =	simm.s32 $0x1  }
0xb: {  	[tilespmem:s24], [sflag:$0x1] =	stream.linear.gather [hbm4b:s4+s2], $0x10, $0x38;
	[tilespmem:$0x188] =	vst v63  }
0xc: {  	_ =	swait.ge [sflag:s25], $0x8  }
0xd: {  	[sflag:s25] =	ssyncset.done $0x0  }
0xe: {  	[sflag:s25] =	ssyncadd.s32 $0xFFFFFFF8  }
0xf: {  	_ =	swait.ge [sflag:s25], $0x10  }
0x10: {  	[sflag:s25] =	ssyncset.done $0x0  }
0x11: {  	s6 =	sadd.s32 $0x1600, s3;
	s7 =	simm.s32 $0x18;
	[sflag:s25] =	ssyncadd.s32 $0xFFFFFFF0  }
0x12: {  	[tilespmem:s7], [sflag:$0x1] =	stream.indirect.gather [hbm4b:s6+s25], $0x20, s2, s25, $0xb8;
	[tilespmem:$0x188] =	vst v63  }
0x13: {  	s26 =	sadd.s32 $0x600, s3;
	s28 =	simm.s32 $0xA;
	s29 =	simm.s32 $0x38  }
0x14: {  	[tilespmem:s29], [sflag:$0x1] =	stream.indirect.gather [hbm4b:s26+s28], $0x20, s24, s28, $0xb8;
	[tilespmem:$0x188] =	vst v63  }
0x15: {  	_ =	swait.ge [sflag:s25], $0x20  }
0x16: {  	[sflag:s25] =	ssyncset.done $0x0  }
0x17: {  	[sflag:s25] =	ssyncadd.s32 $0xFFFFFFE0  }
0x18: {  	_ =	swait.ge [sflag:s25], $0x140  }
0x19: {  	[sflag:s25] =	ssyncset.done $0x0  }
0x1a: {  	[sflag:s25] =	ssyncadd.s32 $0xFFFFFEC0  }
0x1b: {  	v0 =	vld [tilespmem:$0x18]  }
0x1c: {  	v1 =	vld [tilespmem:$0x28]  }
0x1d: {  	v2 =	vld [tilespmem:$0x38]  }
0x1e: {  	v3 =	vld [tilespmem:$0x48]  }
0x1f: {  	v4 =	vld [tilespmem:$0x58]  }
0x20: {  	v5 =	vld [tilespmem:$0x68]  }
0x21: {  	v6 =	vld [tilespmem:$0x78]  }
0x22: {  	v7 =	vld [tilespmem:$0x88]  }
0x23: {  	v8 =	vld [tilespmem:$0x98]  }
0x24: {  	v9 =	vld [tilespmem:$0xA8]  }
0x25: {  	v10 =	vld [tilespmem:$0xB8]  }
0x26: {  	v11 =	vld [tilespmem:$0xC8]  }
0x27: {  	v12 =	vld [tilespmem:$0xD8]  }
0x28: {  	v13 =	vld [tilespmem:$0xE8]  }
0x29: {  	v14 =	vld [tilespmem:$0xF8]  }
0x2a: {  	v15 =	vld [tilespmem:$0x108]  }
0x2b: {  	v16 =	vld [tilespmem:$0x118]  }
0x2c: {  	v17 =	vld [tilespmem:$0x128];
	v2 =	vmul.f32 v2, v0;
	v3 =	vmul.f32 v3, v1  }
0x2d: {  	v18 =	vld [tilespmem:$0x138];
	v4 =	vmul.f32 v4, v0;
	v5 =	vmul.f32 v5, v1  }
0x2e: {  	v25 =	vld [tilespmem:$0x148];
	v23 =	vmul.f32 v6, v0;
	v24 =	vmul.f32 v7, v1;
	v2 =	vadd.f32 v3, v2  }
0x2f: {  	v28 =	vld [tilespmem:$0x158];
	v26 =	vmul.f32 v8, v0;
	v27 =	vmul.f32 v9, v1;
	v4 =	vadd.f32 v5, v4  }
0x30: {  	v32 =	vld [tilespmem:$0x168];
	v30 =	vmul.f32 v10, v0;
	v31 =	vmul.f32 v11, v1;
	v29 =	vadd.f32 v24, v23;
	(xrf2) =	vadd.scan.msk.f32 $0xffff, v2  }
0x31: {  	v34 =	vmul.f32 v12, v0;
	v35 =	vmul.f32 v13, v1;
	v33 =	vadd.f32 v27, v26;
	(xrf2) =	vadd.scan.msk.f32 $0xffff, v4  }
0x32: {  	v37 =	vmul.f32 v14, v0;
	v38 =	vmul.f32 v15, v1;
	v36 =	vadd.f32 v31, v30;
	(xrf2) =	vadd.scan.msk.f32 $0xffff, v29  }
0x33: {  	v40 =	vmul.f32 v16, v0;
	v41 =	vmul.f32 v17, v1;
	v39 =	vadd.f32 v35, v34;
	(xrf2) =	vadd.scan.msk.f32 $0xffff, v33  }
0x34: {  	v43 =	vmul.f32 v18, v0;
	v44 =	vmul.f32 v25, v1;
	v42 =	vadd.f32 v38, v37;
	(xrf2) =	vadd.scan.msk.f32 $0xffff, v36  }
0x35: {  	v0 =	vmul.f32 v28, v0;
	v1 =	vmul.f32 v32, v1;
	v45 =	vadd.f32 v41, v40;
	(xrf2) =	vadd.scan.msk.f32 $0xffff, v39  }
0x36: {  	v46 =	vadd.f32 v44, v43;
	(xrf2) =	vadd.scan.msk.f32 $0xffff, v42  }
0x37: {  	v0 =	vadd.f32 v1, v0;
	(xrf2) =	vadd.scan.msk.f32 $0xffff, v45  }
0x38: {  	(xrf2) =	vadd.scan.msk.f32 $0xffff, v46  }
0x39: {  	(xrf2) =	vadd.scan.msk.f32 $0xffff, v0  }
0x3a: {  	v47, _, _ =	vpop (xrf2)  }
0x3b: {  	v48, _, _ =	vpop (xrf2);
	v0 =	vbroadcast v47, $0xF  }
0x3c: {  	vm0 =	vmmov $0x1;
	v49, _, _ =	vpop (xrf2);
	v1 =	vbroadcast v48, $0xF  }
0x3d: {  	vm7 =	vcmask $0x328;
	v50, _, _ =	vpop (xrf2);
	v0 =	vnsel vm0, $0x0, v0;
	v2 =	vbroadcast v49, $0xF  }
0x3e: {  	vm8 =	vcmask $0x728;
	v51, _, _ =	vpop (xrf2);
	v0 =	vsel vm7, v0, v1;
	v52 =	vbroadcast v50, $0xF  }
0x3f: {  	vm9 =	vcmask $0xB28;
	v53, _, _ =	vpop (xrf2);
	v0 =	vsel vm8, v0, v2;
	v54 =	vbroadcast v51, $0xF  }
0x40: {  	vm10 =	vcmask $0xF28;
	v55, _, _ =	vpop (xrf2);
	v0 =	vsel vm9, v0, v52;
	v56 =	vbroadcast v53, $0xF  }
0x41: {  	vm11 =	vcmask $0x1328;
	v57, _, _ =	vpop (xrf2);
	v0 =	vsel vm10, v0, v54;
	v58 =	vbroadcast v55, $0xF  }
0x42: {  	vm12 =	vcmask $0x1728;
	v59, _, _ =	vpop (xrf2);
	v0 =	vsel vm11, v0, v56;
	v60 =	vbroadcast v57, $0xF  }
0x43: {  	vm13 =	vcmask $0x1B28;
	v0 =	vsel vm12, v0, v58;
	v61 =	vbroadcast v59, $0xF;
	v62, _, _ =	vpop (xrf2)  }
0x44: {  	vm14 =	vcmask $0x1F28;
	v0 =	vsel vm13, v0, v60;
	v63 =	vbroadcast v62, $0xF  }
0x45: {  	vm15 =	vcmask $0x2328;
	v0 =	vsel vm14, v0, v61  }
0x46: {  	v0 =	vsel vm15, v0, v63  }
0x47: {  	v0 =	vsub.f32 $0.0e+00, v0;
	_ =	sdelay $0x1  }
0x48: {  	v0 =	vmul.f32 $1.442695020e+00, v0;
	_ =	sdelay $0x1  }
0x49: {  	(erf) = vpow2.f32 v0;
	_ =	sdelay $0x8  }
0x4a: {  	v0 =	vpop (erf)  }
0x4b: {  	v0 =	vadd.f32 $1.000000000e+00, v0;
	_ =	sdelay $0x1  }
0x4c: {  	(erf) = vrcp.f32 v0;
	_ =	sdelay $0x8  }
0x4d: {  	v0 =	vpop (erf)  }
0x4e: {  	s30 =	simm.s32 $0x178;
	s31 =	simm.s32 $0x2;
	[tilespmem:$0x178] =	vst v0  }
0x4f: {  	[hbm4b:s1+s2] =	stream.linear.scatter [tilespmem:s30], [sflag:$0x2], $0xA, $0x38;
	[tilespmem:$0x188] =	vst v63  }
0x50: {  	_ =	swait.ge [sflag:s31], $0xA  }
0x51: {  	[sflag:s31] =	ssyncset.done $0x0  }
0x52: {  	[sflag:s31] =	ssyncadd.s32 $0xFFFFFFF6  }
.LBB2_2:
0x53: {  	_ =	sfence.sel $0x180000  }
0x54: {  	[bflag:$0x0] =	sbarrier.arrive $0xFFFF  }
0x55: {  	_ =	strace $0x90000047  }
0x56: {  	s0 =	sadd.s32 @!p0 $0x100000, s0;
	[bflag:$0x2] =	sbarrier.arrive $0xFFFF  }
0x57: {  	[sflag:s0] =	ssyncadd.tile.s32 @!p0 $0x1;
	_ =	shalt  }
.Lfunc_end2:
_tile_overlayer_lowered:
.L_overlay_start_2:
0x58: {  	(tag) =	ssettag $0x2  }
0x59: {  	s0 =	rddreg [dreg:$0x0];
	s2 =	stileid.u32  }
0x5a: {  	s1 =	rddreg [dreg:$0x1];
	p0 =	sne.s32 s2, $0x0  }
0x5b: {  	s3 =	rddreg [dreg:$0x2];
	[bflag:$0x3] =	sbarrier.arrive $0xFFFF;
	s2 =	simm.s32 @!p0 $0x1C02  }
0x5c: {  	[timem:s3], [sflag:s2] =	dma.local @!p0 [hbm:s0], s1  }
0x5d: {  	s0 =	simm.s32 @!p0 $0x2  }
0x5e: {  	_ =	swait.ge @!p0 [sflag:s0], s1  }
0x5f: {  	s1 =	ssub.s32 @!p0 $0x0, s1;
	[sflag:s0] =	ssyncset.done @!p0 $0x0  }
0x60: {  	[sflag:s0] =	ssyncadd.s32 @!p0 s1  }
0x61: {  	[bflag:$0x3] =	sbarrier.arrive $0xFFFF  }
0x62: {  	_ =	shalt  }

</sc_bundles>
